<compile_context>
chip_gen: v7x
topology: tpu7x:2x2x1
jax: 0.10.2.dev20260603
libtpu: 0.0.44.dev20260713+nightly
codegen_flags: <defaults>
</compile_context>

<pallas_src>
import functools

import jax
import jax.numpy as jnp
from jax import lax
from jax.experimental import pallas as pl
from jax.experimental.pallas import tpu as pltpu
from jax.experimental.pallas import tpu_sc as plsc

N_FIELDS = 26
VOCAB = 100000
EMB = 20
B = 16384

NC, NS = 2, 16
NW = NC * NS
BW = B // NW
WIN = 2 * EMB
VWIN = VOCAB // 2
CHUNK = 128
NSB = BW // CHUNK
XPAD = 32
NUNIT = N_FIELDS * NSB
GROUPS = CHUNK * EMB // 16
OUT_D = N_FIELDS * EMB


@functools.partial(
    pl.kernel,
    out_type=jax.ShapeDtypeStruct((B, OUT_D), jnp.float32),
    mesh=plsc.VectorSubcoreMesh(core_axis_name="c", subcore_axis_name="s"),
    scratch_types=[
        pltpu.VMEM((BW, XPAD), jnp.int32),
        pltpu.VMEM((N_FIELDS, BW), jnp.int32),
        pltpu.VMEM((N_FIELDS, BW), jnp.int32),
        pltpu.VMEM((CHUNK, WIN), jnp.float32),
        pltpu.VMEM((CHUNK, WIN), jnp.float32),
        pltpu.VMEM((CHUNK, OUT_D), jnp.float32),
        pltpu.VMEM((CHUNK * EMB + 16,), jnp.int32),
        pltpu.VMEM((CHUNK * EMB + 16,), jnp.int32),
        pltpu.SemaphoreType.DMA,
        pltpu.SemaphoreType.DMA,
    ],
    compiler_params=pltpu.CompilerParams(
        use_tc_tiling_on_sc=False, needs_layout_passes=False),
)
def _emb_kernel(t3, x_hbm, out_hbm, xb, idx_v, corr_v, rows0, rows1,
                big, row_t, pw_t, sem0, sem1):
    wid = lax.axis_index("s") * NC + lax.axis_index("c")
    b0 = wid * BW
    pltpu.sync_copy(x_hbm.at[pl.ds(b0, BW)], xb)

    iota = lax.iota(jnp.int32, 16)

    def const_body(j, carry):
        row_t[pl.ds(j * EMB, 16)] = jnp.full((16,), j, jnp.int32)
        row_t[pl.ds(j * EMB + 16, 16)] = jnp.full((16,), j, jnp.int32)
        pw_t[pl.ds(j * EMB, 16)] = iota
        pw_t[pl.ds(j * EMB + 16, 16)] = iota + 16
        return carry

    lax.fori_loop(0, CHUNK, const_body, 0, unroll=False)

    def prep_f(f, carry):
        def prep_g(g, carry2):
            rows = iota + g * 16
            v = plsc.load_gather(xb, [rows, jnp.full((16,), f, jnp.int32)])
            idx_v[f, pl.ds(g * 16, 16)] = v >> 1
            corr_v[f, pl.ds(g * 16, 16)] = (v & 1) * EMB
            return carry2
        return lax.fori_loop(0, BW // 16, prep_g, carry, unroll=False)

    lax.fori_loop(0, N_FIELDS, prep_f, 0, unroll=False)

    def fire(u, rows, sem):
        f = lax.rem(u, N_FIELDS)
        sb = lax.div(u, N_FIELDS)
        return pltpu.async_copy(
            t3.at[f].at[idx_v.at[f, pl.ds(sb * CHUNK, CHUNK)]], rows, sem)

    def repack_and_flush(u, rows):
        f = lax.rem(u, N_FIELDS)
        sb = lax.div(u, N_FIELDS)
        fvec = jnp.full((16,), f, jnp.int32)
        sboff = jnp.full((16,), sb * CHUNK, jnp.int32)

        def group(g, carry2):
            rowv = row_t[pl.ds(g * 16, 16)]
            pwv = pw_t[pl.ds(g * 16, 16)]
            corr = plsc.load_gather(corr_v, [fvec, sboff + rowv])
            data = plsc.load_gather(rows, [rowv, corr + pwv])
            plsc.store_scatter(big, [rowv, pwv + f * EMB], data)
            return carry2

        lax.fori_loop(0, GROUPS, group, 0, unroll=False)

        @pl.when(f == N_FIELDS - 1)
        def _():
            pltpu.sync_copy(big, out_hbm.at[pl.ds(b0 + sb * CHUNK, CHUNK)])

    def body(k, carry):
        u0 = 2 * k
        d0 = fire(u0, rows0, sem0)
        d1 = fire(u0 + 1, rows1, sem1)
        d0.wait()
        repack_and_flush(u0, rows0)
        d1.wait()
        repack_and_flush(u0 + 1, rows1)
        return carry

    lax.fori_loop(0, NUNIT // 2, body, 0, unroll=False)


def kernel(x, table):
    t3 = table.reshape(N_FIELDS, VWIN, WIN)
    xpad = jnp.pad(x, ((0, 0), (0, XPAD - N_FIELDS)))
    return _emb_kernel(t3, xpad)

# --- scband reference (transcript-rebuilt; emitter-appended) ---
"""Pipeline reference for scband-embedding-layer-7954279432476 (READ-ONLY COPY).

The authoritative reference and input builder live on the scoring server;
editing this copy changes nothing except your own understanding.
"""

import jax, jax.numpy as jnp
import numpy as np

N_FIELDS = 26
VOCAB = 100000
EMB = 20  # min(ceil(sqrt(100000))=317, 20) = 20
B = 16384


def setup_inputs(seed: int = 0) -> dict:
    key = jax.random.key(seed)
    kx, kt = jax.random.split(key)
    x = jax.random.randint(kx, (B, N_FIELDS), 0, VOCAB, dtype=jnp.int32)
    # One embedding table per categorical field; all fields share
    # (cardinality=100000, emb_dim=20) so we stack them into [F, V, D].
    table = jax.random.normal(kt, (N_FIELDS, VOCAB, EMB), dtype=jnp.float32) * 0.02
    return {"x": x, "table": table}


def reference(x, table):
    # Faithful translation of EmbeddingLayer.forward:
    #   output = torch.cat([emb(x[:, e]) for e, emb in enumerate(self.emb.values())], dim=-1)
    #   output = self.dropout(output)  # dropout p=0.0 -> identity
    embs = [jnp.take(table[f], x[:, f], axis=0) for f in range(N_FIELDS)]
    out = jnp.concatenate(embs, axis=-1)  # [B, N_FIELDS * EMB] = [16384, 520]
    return out

if __name__ == "__main__":
    import jax
    _d = setup_inputs()
    print(jax.jit(kernel)(*tuple(_d.values())))

</pallas_src>

<mosaic_0001>
#map = affine_map<(d0, d1) -> (0, 0, 0)>
#map1 = affine_map<(d0, d1) -> (0, 0)>
module attributes {stable_mosaic.version = 14 : i64} {
  func.func @_emb_kernel(%arg0: i32, %arg1: i32, %arg2: memref<26x50000x40xf32, #tpu.memory_space<hbm>>, %arg3: memref<16384x32xi32, #tpu.memory_space<hbm>>, %arg4: memref<16384x520xf32, #tpu.memory_space<hbm>>, %arg5: memref<512x32xi32, #tpu.memory_space<vmem>>, %arg6: memref<26x512xi32, #tpu.memory_space<vmem>>, %arg7: memref<26x512xi32, #tpu.memory_space<vmem>>, %arg8: memref<128x40xf32, #tpu.memory_space<vmem>>, %arg9: memref<128x40xf32, #tpu.memory_space<vmem>>, %arg10: memref<128x520xf32, #tpu.memory_space<vmem>>, %arg11: memref<2576xi32, #tpu.memory_space<vmem>>, %arg12: memref<2576xi32, #tpu.memory_space<vmem>>, %arg13: memref<!tpu.dma_semaphore, #tpu.memory_space<semaphore_mem>>, %arg14: memref<!tpu.dma_semaphore, #tpu.memory_space<semaphore_mem>>) attributes {dimension_semantics = [#tpu.dimension_semantics<core_parallel>, #tpu.dimension_semantics<subcore_parallel>], iteration_bounds = array<i64: 2, 16>, scalar_prefetch = 0 : i64, scratch_operands = 10 : i64, tpu.core_type = #tpu.core_type<sc_vector_subcore>, window_params = [{transform_indices = #map}, {transform_indices = #map1}, {transform_indices = #map1}]} {
    %mul3A = arith.constant 2 : i32
    %mul3A_0 = arith.muli %arg1, %mul3A : i32
    %add3A = arith.addi %mul3A_0, %arg0 : i32
    %mul3A_1 = arith.constant 512 : i32
    %mul3A_2 = arith.muli %add3A, %mul3A_1 : i32
    "tpu.region"() ({
      %run_scoped3A = tpu.sem_alloc : memref<!tpu.dma_semaphore, #tpu.memory_space<semaphore_mem>>
      %dma_start3A = arith.constant 0 : i32
      %dma_start3A_20 = tpu.memref_slice %arg3[%mul3A_2, %dma_start3A] : memref<16384x32xi32, #tpu.memory_space<hbm>> -> memref<512x32xi32, #tpu.memory_space<hbm>>
      %dma_start3A_21 = arith.constant 0 : i32
      %dma_start3A_22 = tpu.memref_slice %arg3[%mul3A_2, %dma_start3A_21] : memref<16384x32xi32, #tpu.memory_space<hbm>> -> memref<512x32xi32, #tpu.memory_space<hbm>>
      tpu.enqueue_dma source(%dma_start3A_22 : memref<512x32xi32, #tpu.memory_space<hbm>>) target(%arg5 : memref<512x32xi32, #tpu.memory_space<vmem>>) target_semaphore(%run_scoped3A : memref<!tpu.dma_semaphore, #tpu.memory_space<semaphore_mem>>)
      %dma_wait3A = arith.constant 0 : i32
      %dma_wait3A_23 = tpu.memref_slice %arg3[%mul3A_2, %dma_wait3A] : memref<16384x32xi32, #tpu.memory_space<hbm>> -> memref<512x32xi32, #tpu.memory_space<hbm>>
      %dma_wait3A_24 = arith.constant 0 : i32
      %dma_wait3A_25 = tpu.memref_slice %arg3[%mul3A_2, %dma_wait3A_24] : memref<16384x32xi32, #tpu.memory_space<hbm>> -> memref<512x32xi32, #tpu.memory_space<hbm>>
      tpu.wait_dma2 semaphore(%run_scoped3A : memref<!tpu.dma_semaphore, #tpu.memory_space<semaphore_mem>>) src(%dma_wait3A_25 : memref<512x32xi32, #tpu.memory_space<hbm>>) dst(%arg5 : memref<512x32xi32, #tpu.memory_space<vmem>>)
      tpu.yield
    }) : () -> ()
    %iota3A = tpu.iota {dimensions = array<i32: 0>} : vector<16xi32>
    %scan3A = arith.constant 0 : i32
    %scan3A_3 = arith.constant 0 : i32
    %scan3A_4 = arith.constant 128 : i32
    %scan3A_5 = arith.addi %scan3A_3, %scan3A_4 : i32
    %scan3A_6 = arith.constant 1 : i32
    scf.for %scan3A_20 = %scan3A_3 to %scan3A_5 step %scan3A_6  : i32 {
      %broadcast_in_dim3A = vector.broadcast %scan3A_20 : i32 to vector<16xi32>
      %mul3A_21 = arith.constant 20 : i32
      %mul3A_22 = arith.muli %scan3A_20, %mul3A_21 : i32
      %swap3A = arith.index_cast %mul3A_22 : i32 to index
      %swap3A_23 = tpu.vector_load %arg11[%swap3A] {strides = array<i32>} : memref<2576xi32, #tpu.memory_space<vmem>>, vector<16xi32>,
      tpu.vector_store %arg11[%swap3A], %broadcast_in_dim3A {strides = array<i32>} : memref<2576xi32, #tpu.memory_space<vmem>>, vector<16xi32>,
      %broadcast_in_dim3A_24 = vector.broadcast %scan3A_20 : i32 to vector<16xi32>
      %mul3A_25 = arith.constant 20 : i32
      %mul3A_26 = arith.muli %scan3A_20, %mul3A_25 : i32
      %add3A_27 = arith.constant 16 : i32
      %add3A_28 = arith.addi %mul3A_26, %add3A_27 : i32
      %swap3A_29 = arith.index_cast %add3A_28 : i32 to index
      %swap3A_30 = tpu.vector_load %arg11[%swap3A_29] {strides = array<i32>} : memref<2576xi32, #tpu.memory_space<vmem>>, vector<16xi32>,
      tpu.vector_store %arg11[%swap3A_29], %broadcast_in_dim3A_24 {strides = array<i32>} : memref<2576xi32, #tpu.memory_space<vmem>>, vector<16xi32>,
      %mul3A_31 = arith.constant 20 : i32
      %mul3A_32 = arith.muli %scan3A_20, %mul3A_31 : i32
      %swap3A_33 = arith.index_cast %mul3A_32 : i32 to index
      %swap3A_34 = tpu.vector_load %arg12[%swap3A_33] {strides = array<i32>} : memref<2576xi32, #tpu.memory_space<vmem>>, vector<16xi32>,
      tpu.vector_store %arg12[%swap3A_33], %iota3A {strides = array<i32>} : memref<2576xi32, #tpu.memory_space<vmem>>, vector<16xi32>,
      %add3A_35 = arith.constant 16 : i32
      %add3A_36 = vector.broadcast %add3A_35 : i32 to vector<16xi32>
      %add3A_37 = arith.addi %iota3A, %add3A_36 : vector<16xi32>
      %mul3A_38 = arith.constant 20 : i32
      %mul3A_39 = arith.muli %scan3A_20, %mul3A_38 : i32
      %add3A_40 = arith.constant 16 : i32
      %add3A_41 = arith.addi %mul3A_39, %add3A_40 : i32
      %swap3A_42 = arith.index_cast %add3A_41 : i32 to index
      %swap3A_43 = tpu.vector_load %arg12[%swap3A_42] {strides = array<i32>} : memref<2576xi32, #tpu.memory_space<vmem>>, vector<16xi32>,
      tpu.vector_store %arg12[%swap3A_42], %add3A_37 {strides = array<i32>} : memref<2576xi32, #tpu.memory_space<vmem>>, vector<16xi32>,
    }
    %scan3A_7 = arith.constant 128 : i32
    %scan3A_8 = arith.constant 0 : i32
    %scan3A_9 = arith.constant 0 : i32
    %scan3A_10 = arith.constant 26 : i32
    %scan3A_11 = arith.addi %scan3A_9, %scan3A_10 : i32
    %scan3A_12 = arith.constant 1 : i32
    scf.for %scan3A_20 = %scan3A_9 to %scan3A_11 step %scan3A_12  : i32 {
      %scan3A_21 = arith.constant 0 : i32
      %scan3A_22 = arith.constant 32 : i32
      %scan3A_23 = arith.addi %scan3A_21, %scan3A_22 : i32
      %scan3A_24 = arith.constant 1 : i32
      scf.for %scan3A_26 = %scan3A_21 to %scan3A_23 step %scan3A_24  : i32 {
        %mul3A_27 = arith.constant 16 : i32
        %mul3A_28 = arith.muli %scan3A_26, %mul3A_27 : i32
        %add3A_29 = vector.broadcast %mul3A_28 : i32 to vector<16xi32>
        %add3A_30 = arith.addi %iota3A, %add3A_29 : vector<16xi32>
        %broadcast_in_dim3A = vector.broadcast %scan3A_20 : i32 to vector<16xi32>
        %gather3A = tpu.vector_load_idx %arg5[%add3A_30, %broadcast_in_dim3A] : memref<512x32xi32, #tpu.memory_space<vmem>>[vector<16xi32>, vector<16xi32>], vector<16xi32>,
        %shift_right_arithmetic3A = arith.constant 1 : i32
        %shift_right_arithmetic3A_31 = vector.broadcast %shift_right_arithmetic3A : i32 to vector<16xi32>
        %shift_right_arithmetic3A_32 = arith.shrsi %gather3A, %shift_right_arithmetic3A_31 : vector<16xi32>
        %mul3A_33 = arith.constant 16 : i32
        %mul3A_34 = arith.muli %scan3A_26, %mul3A_33 : i32
        %swap3A = arith.index_cast %scan3A_20 : i32 to index
        %swap3A_35 = arith.index_cast %mul3A_34 : i32 to index
        %swap3A_36 = tpu.vector_load %arg6[%swap3A, %swap3A_35] {strides = array<i32>} : memref<26x512xi32, #tpu.memory_space<vmem>>, vector<16xi32>,
        tpu.vector_store %arg6[%swap3A, %swap3A_35], %shift_right_arithmetic3A_32 {strides = array<i32>} : memref<26x512xi32, #tpu.memory_space<vmem>>, vector<16xi32>,
        %and3A = arith.constant 1 : i32
        %and3A_37 = vector.broadcast %and3A : i32 to vector<16xi32>
        %and3A_38 = arith.andi %gather3A, %and3A_37 : vector<16xi32>
        %mul3A_39 = arith.constant 20 : i32
        %mul3A_40 = vector.broadcast %mul3A_39 : i32 to vector<16xi32>
        %mul3A_41 = arith.muli %and3A_38, %mul3A_40 : vector<16xi32>
        %mul3A_42 = arith.constant 16 : i32
        %mul3A_43 = arith.muli %scan3A_26, %mul3A_42 : i32
        %swap3A_44 = arith.index_cast %scan3A_20 : i32 to index
        %swap3A_45 = arith.index_cast %mul3A_43 : i32 to index
        %swap3A_46 = tpu.vector_load %arg7[%swap3A_44, %swap3A_45] {strides = array<i32>} : memref<26x512xi32, #tpu.memory_space<vmem>>, vector<16xi32>,
        tpu.vector_store %arg7[%swap3A_44, %swap3A_45], %mul3A_41 {strides = array<i32>} : memref<26x512xi32, #tpu.memory_space<vmem>>, vector<16xi32>,
      }
      %scan3A_25 = arith.constant 32 : i32
    }
    %scan3A_13 = arith.constant 26 : i32
    %scan3A_14 = arith.constant 0 : i32
    %scan3A_15 = arith.constant 0 : i32
    %scan3A_16 = arith.constant 52 : i32
    %scan3A_17 = arith.addi %scan3A_15, %scan3A_16 : i32
    %scan3A_18 = arith.constant 1 : i32
    scf.for %scan3A_20 = %scan3A_15 to %scan3A_17 step %scan3A_18  : i32 {
      %mul3A_21 = arith.constant 2 : i32
      %mul3A_22 = arith.muli %mul3A_21, %scan3A_20 : i32
      %rem3A = arith.constant 26 : i32
      %rem3A_23 = arith.remsi %mul3A_22, %rem3A : i32
      %div3A = arith.constant 26 : i32
      %div3A_24 = arith.divsi %mul3A_22, %div3A : i32
      %mul3A_25 = arith.constant 128 : i32
      %mul3A_26 = arith.muli %div3A_24, %mul3A_25 : i32
      %dma_start3A = tpu.memref_slice %arg6[%rem3A_23, %mul3A_26] : memref<26x512xi32, #tpu.memory_space<vmem>> -> memref<1x128xi32, #tpu.memory_space<vmem>>
      %dma_start3A_27 = tpu.memref_squeeze %dma_start3A : memref<1x128xi32, #tpu.memory_space<vmem>> -> memref<128xi32, #tpu.memory_space<vmem>>
      %dma_start3A_28 = arith.constant 0 : i32
      %dma_start3A_29 = arith.constant 0 : i32
      %dma_start3A_30 = tpu.memref_slice %arg2[%rem3A_23, %dma_start3A_28, %dma_start3A_29] : memref<26x50000x40xf32, #tpu.memory_space<hbm>> -> memref<1x50000x40xf32, #tpu.memory_space<hbm>>
      %dma_start3A_31 = tpu.memref_squeeze %dma_start3A_30 : memref<1x50000x40xf32, #tpu.memory_space<hbm>> -> memref<50000x40xf32, #tpu.memory_space<hbm>>
      %dma_start3A_32 = arith.constant 0 : i32
      %dma_start3A_33 = arith.constant 0 : i32
      %dma_start3A_34 = tpu.memref_slice %dma_start3A_31[%dma_start3A_32, %dma_start3A_33] : memref<50000x40xf32, #tpu.memory_space<hbm>> -> memref<50000x40xf32, #tpu.memory_space<hbm>>
      tpu.enqueue_indirect_dma source(%dma_start3A_34 : memref<50000x40xf32, #tpu.memory_space<hbm>>) target(%arg8 : memref<128x40xf32, #tpu.memory_space<vmem>>) offsets(%dma_start3A_27 : memref<128xi32, #tpu.memory_space<vmem>>) semaphore(%arg13 : memref<!tpu.dma_semaphore, #tpu.memory_space<semaphore_mem>>)
      %add3A_35 = arith.constant 1 : i32
      %add3A_36 = arith.addi %mul3A_22, %add3A_35 : i32
      %rem3A_37 = arith.constant 26 : i32
      %rem3A_38 = arith.remsi %add3A_36, %rem3A_37 : i32
      %div3A_39 = arith.constant 26 : i32
      %div3A_40 = arith.divsi %add3A_36, %div3A_39 : i32
      %mul3A_41 = arith.constant 128 : i32
      %mul3A_42 = arith.muli %div3A_40, %mul3A_41 : i32
      %dma_start3A_43 = tpu.memref_slice %arg6[%rem3A_38, %mul3A_42] : memref<26x512xi32, #tpu.memory_space<vmem>> -> memref<1x128xi32, #tpu.memory_space<vmem>>
      %dma_start3A_44 = tpu.memref_squeeze %dma_start3A_43 : memref<1x128xi32, #tpu.memory_space<vmem>> -> memref<128xi32, #tpu.memory_space<vmem>>
      %dma_start3A_45 = arith.constant 0 : i32
      %dma_start3A_46 = arith.constant 0 : i32
      %dma_start3A_47 = tpu.memref_slice %arg2[%rem3A_38, %dma_start3A_45, %dma_start3A_46] : memref<26x50000x40xf32, #tpu.memory_space<hbm>> -> memref<1x50000x40xf32, #tpu.memory_space<hbm>>
      %dma_start3A_48 = tpu.memref_squeeze %dma_start3A_47 : memref<1x50000x40xf32, #tpu.memory_space<hbm>> -> memref<50000x40xf32, #tpu.memory_space<hbm>>
      %dma_start3A_49 = arith.constant 0 : i32
      %dma_start3A_50 = arith.constant 0 : i32
      %dma_start3A_51 = tpu.memref_slice %dma_start3A_48[%dma_start3A_49, %dma_start3A_50] : memref<50000x40xf32, #tpu.memory_space<hbm>> -> memref<50000x40xf32, #tpu.memory_space<hbm>>
      tpu.enqueue_indirect_dma source(%dma_start3A_51 : memref<50000x40xf32, #tpu.memory_space<hbm>>) target(%arg9 : memref<128x40xf32, #tpu.memory_space<vmem>>) offsets(%dma_start3A_44 : memref<128xi32, #tpu.memory_space<vmem>>) semaphore(%arg14 : memref<!tpu.dma_semaphore, #tpu.memory_space<semaphore_mem>>)
      %dma_wait3A = tpu.memref_slice %arg6[%rem3A_23, %mul3A_26] : memref<26x512xi32, #tpu.memory_space<vmem>> -> memref<1x128xi32, #tpu.memory_space<vmem>>
      %dma_wait3A_52 = tpu.memref_squeeze %dma_wait3A : memref<1x128xi32, #tpu.memory_space<vmem>> -> memref<128xi32, #tpu.memory_space<vmem>>
      %dma_wait3A_53 = arith.constant 0 : i32
      %dma_wait3A_54 = arith.constant 0 : i32
      %dma_wait3A_55 = tpu.memref_slice %arg2[%rem3A_23, %dma_wait3A_53, %dma_wait3A_54] : memref<26x50000x40xf32, #tpu.memory_space<hbm>> -> memref<1x50000x40xf32, #tpu.memory_space<hbm>>
      %dma_wait3A_56 = tpu.memref_squeeze %dma_wait3A_55 : memref<1x50000x40xf32, #tpu.memory_space<hbm>> -> memref<50000x40xf32, #tpu.memory_space<hbm>>
      %dma_wait3A_57 = arith.constant 0 : i32
      %dma_wait3A_58 = arith.constant 0 : i32
      %dma_wait3A_59 = tpu.memref_slice %dma_wait3A_56[%dma_wait3A_57, %dma_wait3A_58] : memref<50000x40xf32, #tpu.memory_space<hbm>> -> memref<50000x40xf32, #tpu.memory_space<hbm>>
      tpu.wait_indirect_dma semaphore(%arg13 : memref<!tpu.dma_semaphore, #tpu.memory_space<semaphore_mem>>) src(%dma_wait3A_59 : memref<50000x40xf32, #tpu.memory_space<hbm>>) dst(%arg8 : memref<128x40xf32, #tpu.memory_space<vmem>>)
      %rem3A_60 = arith.constant 26 : i32
      %rem3A_61 = arith.remsi %mul3A_22, %rem3A_60 : i32
      %div3A_62 = arith.constant 26 : i32
      %div3A_63 = arith.divsi %mul3A_22, %div3A_62 : i32
      %broadcast_in_dim3A = vector.broadcast %rem3A_61 : i32 to vector<16xi32>
      %mul3A_64 = arith.constant 128 : i32
      %mul3A_65 = arith.muli %div3A_63, %mul3A_64 : i32
      %broadcast_in_dim3A_66 = vector.broadcast %mul3A_65 : i32 to vector<16xi32>
      %scan3A_67 = arith.constant 0 : i32
      %scan3A_68 = arith.constant 0 : i32
      %scan3A_69 = arith.constant 160 : i32
      %scan3A_70 = arith.addi %scan3A_68, %scan3A_69 : i32
      %scan3A_71 = arith.constant 1 : i32
      scf.for %scan3A_105 = %scan3A_68 to %scan3A_70 step %scan3A_71  : i32 {
        %mul3A_106 = arith.constant 16 : i32
        %mul3A_107 = arith.muli %scan3A_105, %mul3A_106 : i32
        %get3A = arith.index_cast %mul3A_107 : i32 to index
        %get3A_108 = tpu.vector_load %arg11[%get3A] {strides = array<i32>} : memref<2576xi32, #tpu.memory_space<vmem>>, vector<16xi32>,
        %mul3A_109 = arith.constant 16 : i32
        %mul3A_110 = arith.muli %scan3A_105, %mul3A_109 : i32
        %get3A_111 = arith.index_cast %mul3A_110 : i32 to index
        %get3A_112 = tpu.vector_load %arg12[%get3A_111] {strides = array<i32>} : memref<2576xi32, #tpu.memory_space<vmem>>, vector<16xi32>,
        %add3A_113 = arith.addi %broadcast_in_dim3A_66, %get3A_108 : vector<16xi32>
        %gather3A = tpu.vector_load_idx %arg7[%broadcast_in_dim3A, %add3A_113] : memref<26x512xi32, #tpu.memory_space<vmem>>[vector<16xi32>, vector<16xi32>], vector<16xi32>,
        %add3A_114 = arith.addi %gather3A, %get3A_112 : vector<16xi32>
        %gather3A_115 = tpu.vector_load_idx %arg8[%get3A_108, %add3A_114] : memref<128x40xf32, #tpu.memory_space<vmem>>[vector<16xi32>, vector<16xi32>], vector<16xf32>,
        %mul3A_116 = arith.constant 20 : i32
        %mul3A_117 = arith.muli %rem3A_61, %mul3A_116 : i32
        %add3A_118 = vector.broadcast %mul3A_117 : i32 to vector<16xi32>
        %add3A_119 = arith.addi %get3A_112, %add3A_118 : vector<16xi32>
        tpu.vector_store_idx %arg10[%get3A_108, %add3A_119], %gather3A_115 : memref<128x520xf32, #tpu.memory_space<vmem>>[vector<16xi32>, vector<16xi32>], vector<16xf32>,
      }
      %scan3A_72 = arith.constant 160 : i32
      %eq3A = arith.constant 25 : i32
      %eq3A_73 = arith.cmpi eq, %rem3A_61, %eq3A : i32
      %convert_element_type3A = arith.extui %eq3A_73 : i1 to i32
      %cond3A = arith.constant 0 : i32
      %cond3A_74 = arith.cmpi ne, %convert_element_type3A, %cond3A : i32
      scf.if %cond3A_74 {
        %mul3A_105 = arith.constant 128 : i32
        %mul3A_106 = arith.muli %div3A_63, %mul3A_105 : i32
        %add3A_107 = arith.addi %mul3A_2, %mul3A_106 : i32
        "tpu.region"() ({
          %run_scoped3A = tpu.sem_alloc : memref<!tpu.dma_semaphore, #tpu.memory_space<semaphore_mem>>
          %dma_start3A_108 = arith.constant 0 : i32
          %dma_start3A_109 = tpu.memref_slice %arg4[%add3A_107, %dma_start3A_108] : memref<16384x520xf32, #tpu.memory_space<hbm>> -> memref<128x520xf32, #tpu.memory_space<hbm>>
          %dma_start3A_110 = arith.constant 0 : i32
          %dma_start3A_111 = tpu.memref_slice %arg4[%add3A_107, %dma_start3A_110] : memref<16384x520xf32, #tpu.memory_space<hbm>> -> memref<128x520xf32, #tpu.memory_space<hbm>>
          tpu.enqueue_dma source(%arg10 : memref<128x520xf32, #tpu.memory_space<vmem>>) target(%dma_start3A_111 : memref<128x520xf32, #tpu.memory_space<hbm>>) target_semaphore(%run_scoped3A : memref<!tpu.dma_semaphore, #tpu.memory_space<semaphore_mem>>)
          %dma_wait3A_112 = arith.constant 0 : i32
          %dma_wait3A_113 = tpu.memref_slice %arg4[%add3A_107, %dma_wait3A_112] : memref<16384x520xf32, #tpu.memory_space<hbm>> -> memref<128x520xf32, #tpu.memory_space<hbm>>
          %dma_wait3A_114 = arith.constant 0 : i32
          %dma_wait3A_115 = tpu.memref_slice %arg4[%add3A_107, %dma_wait3A_114] : memref<16384x520xf32, #tpu.memory_space<hbm>> -> memref<128x520xf32, #tpu.memory_space<hbm>>
          tpu.wait_dma2 semaphore(%run_scoped3A : memref<!tpu.dma_semaphore, #tpu.memory_space<semaphore_mem>>) src(%arg10 : memref<128x520xf32, #tpu.memory_space<vmem>>) dst(%dma_wait3A_115 : memref<128x520xf32, #tpu.memory_space<hbm>>)
          tpu.yield
        }) : () -> ()
      } else {
      }
      %dma_wait3A_75 = tpu.memref_slice %arg6[%rem3A_38, %mul3A_42] : memref<26x512xi32, #tpu.memory_space<vmem>> -> memref<1x128xi32, #tpu.memory_space<vmem>>
      %dma_wait3A_76 = tpu.memref_squeeze %dma_wait3A_75 : memref<1x128xi32, #tpu.memory_space<vmem>> -> memref<128xi32, #tpu.memory_space<vmem>>
      %dma_wait3A_77 = arith.constant 0 : i32
      %dma_wait3A_78 = arith.constant 0 : i32
      %dma_wait3A_79 = tpu.memref_slice %arg2[%rem3A_38, %dma_wait3A_77, %dma_wait3A_78] : memref<26x50000x40xf32, #tpu.memory_space<hbm>> -> memref<1x50000x40xf32, #tpu.memory_space<hbm>>
      %dma_wait3A_80 = tpu.memref_squeeze %dma_wait3A_79 : memref<1x50000x40xf32, #tpu.memory_space<hbm>> -> memref<50000x40xf32, #tpu.memory_space<hbm>>
      %dma_wait3A_81 = arith.constant 0 : i32
      %dma_wait3A_82 = arith.constant 0 : i32
      %dma_wait3A_83 = tpu.memref_slice %dma_wait3A_80[%dma_wait3A_81, %dma_wait3A_82] : memref<50000x40xf32, #tpu.memory_space<hbm>> -> memref<50000x40xf32, #tpu.memory_space<hbm>>
      tpu.wait_indirect_dma semaphore(%arg14 : memref<!tpu.dma_semaphore, #tpu.memory_space<semaphore_mem>>) src(%dma_wait3A_83 : memref<50000x40xf32, #tpu.memory_space<hbm>>) dst(%arg9 : memref<128x40xf32, #tpu.memory_space<vmem>>)
      %add3A_84 = arith.constant 1 : i32
      %add3A_85 = arith.addi %mul3A_22, %add3A_84 : i32
      %rem3A_86 = arith.constant 26 : i32
      %rem3A_87 = arith.remsi %add3A_85, %rem3A_86 : i32
      %div3A_88 = arith.constant 26 : i32
      %div3A_89 = arith.divsi %add3A_85, %div3A_88 : i32
      %broadcast_in_dim3A_90 = vector.broadcast %rem3A_87 : i32 to vector<16xi32>
      %mul3A_91 = arith.constant 128 : i32
      %mul3A_92 = arith.muli %div3A_89, %mul3A_91 : i32
      %broadcast_in_dim3A_93 = vector.broadcast %mul3A_92 : i32 to vector<16xi32>
      %scan3A_94 = arith.constant 0 : i32
      %scan3A_95 = arith.constant 0 : i32
      %scan3A_96 = arith.constant 160 : i32
      %scan3A_97 = arith.addi %scan3A_95, %scan3A_96 : i32
      %scan3A_98 = arith.constant 1 : i32
      scf.for %scan3A_105 = %scan3A_95 to %scan3A_97 step %scan3A_98  : i32 {
        %mul3A_106 = arith.constant 16 : i32
        %mul3A_107 = arith.muli %scan3A_105, %mul3A_106 : i32
        %get3A = arith.index_cast %mul3A_107 : i32 to index
        %get3A_108 = tpu.vector_load %arg11[%get3A] {strides = array<i32>} : memref<2576xi32, #tpu.memory_space<vmem>>, vector<16xi32>,
        %mul3A_109 = arith.constant 16 : i32
        %mul3A_110 = arith.muli %scan3A_105, %mul3A_109 : i32
        %get3A_111 = arith.index_cast %mul3A_110 : i32 to index
        %get3A_112 = tpu.vector_load %arg12[%get3A_111] {strides = array<i32>} : memref<2576xi32, #tpu.memory_space<vmem>>, vector<16xi32>,
        %add3A_113 = arith.addi %broadcast_in_dim3A_93, %get3A_108 : vector<16xi32>
        %gather3A = tpu.vector_load_idx %arg7[%broadcast_in_dim3A_90, %add3A_113] : memref<26x512xi32, #tpu.memory_space<vmem>>[vector<16xi32>, vector<16xi32>], vector<16xi32>,
        %add3A_114 = arith.addi %gather3A, %get3A_112 : vector<16xi32>
        %gather3A_115 = tpu.vector_load_idx %arg9[%get3A_108, %add3A_114] : memref<128x40xf32, #tpu.memory_space<vmem>>[vector<16xi32>, vector<16xi32>], vector<16xf32>,
        %mul3A_116 = arith.constant 20 : i32
        %mul3A_117 = arith.muli %rem3A_87, %mul3A_116 : i32
        %add3A_118 = vector.broadcast %mul3A_117 : i32 to vector<16xi32>
        %add3A_119 = arith.addi %get3A_112, %add3A_118 : vector<16xi32>
        tpu.vector_store_idx %arg10[%get3A_108, %add3A_119], %gather3A_115 : memref<128x520xf32, #tpu.memory_space<vmem>>[vector<16xi32>, vector<16xi32>], vector<16xf32>,
      }
      %scan3A_99 = arith.constant 160 : i32
      %eq3A_100 = arith.constant 25 : i32
      %eq3A_101 = arith.cmpi eq, %rem3A_87, %eq3A_100 : i32
      %convert_element_type3A_102 = arith.extui %eq3A_101 : i1 to i32
      %cond3A_103 = arith.constant 0 : i32
      %cond3A_104 = arith.cmpi ne, %convert_element_type3A_102, %cond3A_103 : i32
      scf.if %cond3A_104 {
        %mul3A_105 = arith.constant 128 : i32
        %mul3A_106 = arith.muli %div3A_89, %mul3A_105 : i32
        %add3A_107 = arith.addi %mul3A_2, %mul3A_106 : i32
        "tpu.region"() ({
          %run_scoped3A = tpu.sem_alloc : memref<!tpu.dma_semaphore, #tpu.memory_space<semaphore_mem>>
          %dma_start3A_108 = arith.constant 0 : i32
          %dma_start3A_109 = tpu.memref_slice %arg4[%add3A_107, %dma_start3A_108] : memref<16384x520xf32, #tpu.memory_space<hbm>> -> memref<128x520xf32, #tpu.memory_space<hbm>>
          %dma_start3A_110 = arith.constant 0 : i32
          %dma_start3A_111 = tpu.memref_slice %arg4[%add3A_107, %dma_start3A_110] : memref<16384x520xf32, #tpu.memory_space<hbm>> -> memref<128x520xf32, #tpu.memory_space<hbm>>
          tpu.enqueue_dma source(%arg10 : memref<128x520xf32, #tpu.memory_space<vmem>>) target(%dma_start3A_111 : memref<128x520xf32, #tpu.memory_space<hbm>>) target_semaphore(%run_scoped3A : memref<!tpu.dma_semaphore, #tpu.memory_space<semaphore_mem>>)
          %dma_wait3A_112 = arith.constant 0 : i32
          %dma_wait3A_113 = tpu.memref_slice %arg4[%add3A_107, %dma_wait3A_112] : memref<16384x520xf32, #tpu.memory_space<hbm>> -> memref<128x520xf32, #tpu.memory_space<hbm>>
          %dma_wait3A_114 = arith.constant 0 : i32
          %dma_wait3A_115 = tpu.memref_slice %arg4[%add3A_107, %dma_wait3A_114] : memref<16384x520xf32, #tpu.memory_space<hbm>> -> memref<128x520xf32, #tpu.memory_space<hbm>>
          tpu.wait_dma2 semaphore(%run_scoped3A : memref<!tpu.dma_semaphore, #tpu.memory_space<semaphore_mem>>) src(%arg10 : memref<128x520xf32, #tpu.memory_space<vmem>>) dst(%dma_wait3A_115 : memref<128x520xf32, #tpu.memory_space<hbm>>)
          tpu.yield
        }) : () -> ()
      } else {
      }
    }
    %scan3A_19 = arith.constant 52 : i32
    return
  }
}

</mosaic_0001>

<sc_bundles>
// kernel: kernel.3.cloned.1.call-start
scs
__scs_entry_jumppad:
0x0: {  	(pc) =	sbr.rel $0x88, $3  }
0x1: {  	(tag) =	ssettag $0x0;
	lr =	simm.s32 $0x1  }
0x2: {  	[smem:$0x3F9F] =	sst lr;
	_ =	strace $0xD0000000  }
0x3: {  	_ = 	snop  }
0x4: {  	_ = 	snop  }
0x5: {  	_ = 	snop  }
0x6: {  	_ = 	snop  }
0x7: {  	_ = 	snop  }
__scs_overlays_trampoline_lowered:
0x8: {  	[smem:$0x3FAE] =	sst s0  }
0x9: {  	[smem:$0x3FAF] =	sst s1  }
0xa: {  	[smem:$0x3FB0] =	sst s2  }
0xb: {  	[smem:$0x3FB1] =	sst s3  }
0xc: {  	[smem:$0x3FB2] =	sst s4  }
0xd: {  	[smem:$0x3FB3] =	sst s5  }
0xe: {  	[smem:$0x3FB4] =	sst s6  }
0xf: {  	[smem:$0x3FB5] =	sst s7  }
0x10: {  	[smem:$0x3FB6] =	sst s8  }
0x11: {  	[smem:$0x3FB7] =	sst s9;
	s0 =	simm.s32 @!p0 $0x0  }
0x12: {  	s1 =	sld [smem:$0x3F9D];
	s0 =	simm.s32 @p0 $0x1  }
0x13: {  	[smem:$0x3FB8] =	sst s0;
	s0 =	simm.s32 @!p1 $0x0  }
0x14: {  	s2 =	sld [smem:$0x3F9C];
	s0 =	simm.s32 @p1 $0x1  }
0x15: {  	[smem:$0x3FB9] =	sst s0;
	s0 =	simm.s32 @!p2 $0x0  }
0x16: {  	s3 =	sld [smem:$0x3FDB];
	s0 =	simm.s32 @p2 $0x1  }
0x17: {  	s4 =	simm.s32 $0x1BF5;
	[smem:$0x3FBB] =	sst s0  }
0x18: {  	s0 =	sld [smem:$0x3F9E];
	_ =	swait.ge [sflag:s4], $0x0  }
0x19: {  	s7 =	sld [smem:$0x3F9F]  }
0x1a: {  	s8 =	sadd.s32 $0xFFFFE003, lr  }
0x1b: {  	s9 =	sadd.s32 $0xFFFFFEF7, lr;
	s5 =	simm.s32 $0xFFFFFFFF;
	p2 =	slt.u32 s8, $0xFFFFF086  }
0x1c: {  	p1 =	slt.u32 s9, $0xF7A;
	s5 =	simm.s32 @!p2 $0x0  }
0x1d: {  	s5 =	simm.s32 @p1 $0x1;
	p0 =	seq.s32 s7, s2  }
0x1e: {  	s7 =	smul.u32 @!p0 $0xF7A, s2;
	p2 =	seq.s32 @!p0 s5, $0x0  }
0x1f: {  	s9 =	smul.u32 $0xF7A, s1;
	s8 =	simm.s32 @!p0 $0x1BF5;
	p2 =	por !p2, p0  }
0x20: {  	[sflag:s8] =	ssyncset.s32 @!p0 $0xFFFFF086;
	s6 =	sadd.s32 @!p0 s3, s7;
	s7 =	simm.s32 @!p0 $0x108  }
0x21: {  	s3 =	sadd.s32 s3, s9;
	s6 =	sadd.s32 @!p0 $0x88, s6;
	s7 =	simm.s32 @p2 $0x1082  }
0x22: {  	[simem:s7], [sflag:s8] =	dma.local @!p0 [hbm:s6], $0xF7A  }
0x23: {  	s9 =	sor.u32 $0xD0000000, s2;
	s6 =	simm.s32 $0x108;
	_ =	swait.ge @!p0 [sflag:s8], $0x0  }
0x24: {  	s3 =	sadd.s32 $0x88, s3;
	s6 =	simm.s32 @!p1 $0x1082;
	[sflag:s4] =	ssyncset.s32 $0xFFFFF086  }
0x25: {  	[simem:s6], [sflag:s4] =	dma.local [hbm:s3], $0xF7A  }
0x26: {  	[smem:$0x3F9F] =	sst s1;
	(tag) =	ssettag s2;
	_ =	strace s9  }
0x27: {  	s1 =	sld [smem:$0x3FAF]  }
0x28: {  	s2 =	sld [smem:$0x3FB0]  }
0x29: {  	s4 =	sld [smem:$0x3FB2]  }
0x2a: {  	p0 =	seq.s32 s5, $0x0;
	s5 =	sld [smem:$0x3FB3]  }
0x2b: {  	s6 =	sld [smem:$0x3FB4]  }
0x2c: {  	s7 =	sld [smem:$0x3FB5]  }
0x2d: {  	s3 =	simm.s32 $0x108;
	s8 =	sld [smem:$0x3FB6]  }
0x2e: {  	s3 =	simm.s32 @!p0 $0x1082;
	s9 =	sld [smem:$0x3FB7]  }
0x2f: {  	lr =	sadd.s32 s0, s3;
	s0 =	sld [smem:$0x3FAE]  }
0x30: {  	s3 =	sld [smem:$0x3FB1]  }
0x31: {  	[smem:$0x3FBA] =	sst s10  }
0x32: {  	s10 =	sld [smem:$0x3FB8];
	_ =	sdelay $0x3  }
0x33: {  	p0 =	seq.s32 s10, $0x1;
	s10 =	sld [smem:$0x3FBA];
	_ =	sdelay $0x3  }
0x34: {  	[smem:$0x3FBA] =	sst s10  }
0x35: {  	s10 =	sld [smem:$0x3FB9];
	_ =	sdelay $0x3  }
0x36: {  	p1 =	seq.s32 s10, $0x1;
	s10 =	sld [smem:$0x3FBA];
	_ =	sdelay $0x3  }
0x37: {  	[smem:$0x3FBA] =	sst s10  }
0x38: {  	s10 =	sld [smem:$0x3FBB]  }
0x39: {  	_ = 	snop;
	(pc) =	sbr.ind lr, $3  }
0x3a: {  	_ = 	snop  }
0x3b: {  	_ = 	snop  }
0x3c: {  	p2 =	seq.s32 s10, $0x1;
	s10 =	sld [smem:$0x3FBA]  }
0x3d: {  	_ =	shalt  }
0x3e: {  	_ =	shalt  }
0x3f: {  	_ =	shalt  }
0x40: {  	_ =	shalt  }
0x41: {  	_ =	shalt  }
0x42: {  	_ =	shalt  }
0x43: {  	_ =	shalt  }
0x44: {  	_ =	shalt  }
0x45: {  	_ =	shalt  }
0x46: {  	_ =	shalt  }
0x47: {  	_ =	shalt  }
0x48: {  	_ =	shalt  }
0x49: {  	_ =	shalt  }
0x4a: {  	_ =	shalt  }
0x4b: {  	_ =	shalt  }
0x4c: {  	_ =	shalt  }
0x4d: {  	_ =	shalt  }
0x4e: {  	_ =	shalt  }
0x4f: {  	_ =	shalt  }
0x50: {  	_ =	shalt  }
0x51: {  	_ =	shalt  }
0x52: {  	_ =	shalt  }
0x53: {  	_ =	shalt  }
0x54: {  	_ =	shalt  }
0x55: {  	_ =	shalt  }
0x56: {  	_ =	shalt  }
0x57: {  	_ =	shalt  }
0x58: {  	_ =	shalt  }
0x59: {  	_ =	shalt  }
0x5a: {  	_ =	shalt  }
0x5b: {  	_ =	shalt  }
0x5c: {  	_ =	shalt  }
0x5d: {  	_ =	shalt  }
0x5e: {  	_ =	shalt  }
0x5f: {  	_ =	shalt  }
0x60: {  	_ =	shalt  }
0x61: {  	_ =	shalt  }
0x62: {  	_ =	shalt  }
0x63: {  	_ =	shalt  }
0x64: {  	_ =	shalt  }
0x65: {  	_ =	shalt  }
0x66: {  	_ =	shalt  }
0x67: {  	_ =	shalt  }
0x68: {  	_ =	shalt  }
0x69: {  	_ =	shalt  }
0x6a: {  	_ =	shalt  }
0x6b: {  	_ =	shalt  }
0x6c: {  	_ =	shalt  }
0x6d: {  	_ =	shalt  }
0x6e: {  	_ =	shalt  }
0x6f: {  	_ =	shalt  }
0x70: {  	_ =	shalt  }
0x71: {  	_ =	shalt  }
0x72: {  	_ =	shalt  }
0x73: {  	_ =	shalt  }
0x74: {  	_ =	shalt  }
0x75: {  	_ =	shalt  }
0x76: {  	_ =	shalt  }
0x77: {  	_ =	shalt  }
0x78: {  	_ =	shalt  }
0x79: {  	_ =	shalt  }
0x7a: {  	_ =	shalt  }
0x7b: {  	_ =	shalt  }
0x7c: {  	_ =	shalt  }
0x7d: {  	_ =	shalt  }
0x7e: {  	_ =	shalt  }
0x7f: {  	_ =	shalt  }
0x80: {  	_ =	shalt  }
0x81: {  	_ =	shalt  }
0x82: {  	_ =	shalt  }
0x83: {  	_ =	shalt  }
0x84: {  	_ =	shalt  }
0x85: {  	_ =	shalt  }
0x86: {  	_ =	shalt  }
0x87: {  	_ =	shalt  }
.Lfunc_end0:
.L_simem_size_0:
called_computation.1_lowered:
.L_overlay_start_0:
0x88: {  	s2 =	sld [smem:$0x3FD9]  }
0x89: {  	s3 =	sld [smem:$0x3FFE];
	_ =	sdelay $0x1  }
0x8a: {  	s1 =	srdreg.scid  }
0x8b: {  	s0 =	sand.u32 $0x1, s1  }
0x8c: {  	s17 =	sshll.u32 s0, $0xA;
	s2 =	sadd.s32 s3, s2  }
0x8d: {  	s2 =	sadd.s32 s2, s17  }
0x8e: {  	[smem:$0x3FC6] =	sst s2  }
0x8f: {  	_ = 	snop  }
0x90: {  	s2 =	sld [smem:$0x3FD0];
	(tm) =	ssettm $0x1  }
0x91: {  	s18 =	sld [smem:$0x3FFB];
	_ =	sdelay $0x3  }
0x92: {  	_ =	strace s18  }
0x93: {  	s3 =	sld [smem:$0x3FFC];
	_ =	sdelay $0x3  }
0x94: {  	_ =	strace s3  }
0x95: {  	s3 =	sld [smem:$0x3FFD];
	_ =	sdelay $0x3  }
0x96: {  	_ =	strace s3  }
0x97: {  	_ =	strace $0x8FFFFFFF  }
0x98: {  	s19 =	sld [smem:$0x3FDB];
	_ =	sdelay $0x1  }
0x99: {  	s4 =	simm.s32 $_scs_section_size  }
0x9a: {  	s5 =	simm.s32 $_size__tile_overlayer_lowered;
	s6 =	simm.s32 $_tile_overlayer_lowered  }
0x9b: {  	s22 =	simm.s32 $0x1BFF;
	s21 =	sshll.u32 s6, $0x1;
	s3 =	sadd.s32 s4, s19  }
0x9c: {  	s7 =	simm.s32 $0x0;
	s20 =	sshll.u32 s5, $0x1;
	s5 =	sadd.s32 s21, s3  }
0x9d: {  	[timem:s7], [sflag:s22] =	dma.local [hbm:s5], s20  }
0x9e: {  	_ =	swait.ge [sflag:s22], s20  }
0x9f: {  	s4 =	ssub.s32 $0x0, s20;
	[sflag:s22] =	ssyncset.done $0x0  }
0xa0: {  	[sflag:s22] =	ssyncadd.s32 s4;
	_ =	sdelay $0x1  }
0xa1: {  	s23 =	simm.s32 $0x1B8B  }
0xa2: {  	_ =	swait.ge [sflag:s23], $0x1  }
0xa3: {  	[sflag:s23] =	ssyncset.done $0x0  }
0xa4: {  	s25 =	simm.s32 $0x1B8E;
	s24 =	sld [smem:$0x3FFE];
	[sflag:s23] =	ssyncadd.s32 $0xFFFFFFFF  }
0xa5: {  	s26 =	simm.s32 $execute0_lowered;
	[smem:$0x3FD2] =	sst s25  }
0xa6: {  	s5 =	sshll.u32 s26, $0x1;
	_ =	strace $0x80000046;
	[dreg:$0x1] =	wrdreg $0xFFFFFFFF  }
0xa7: {  	s28 =	simm.s32 $_size_execute0_lowered;
	s3 =	sadd.s32 s3, s5;
	[dreg:$0x0] =	wrdreg $0x0  }
0xa8: {  	s5 =	sshll.u32 s28, $0x1;
	[dreg:$0x2] =	wrdreg s3  }
0xa9: {  	[dreg:$0x3] =	wrdreg s5  }
0xaa: {  	[dreg:$0x4] =	wrdreg $0xC0  }
0xab: {  	_ =	task [dreg:s7], $0x5FFFF  }
0xac: {  	[dreg:$0x1] =	wrdreg $0xFFFFFFFF  }
0xad: {  	[dreg:$0x0] =	wrdreg $0x60  }
0xae: {  	[dreg:$0x2] =	wrdreg s24  }
0xaf: {  	[dreg:$0x3] =	wrdreg s2  }
0xb0: {  	[dreg:$0x4] =	wrdreg $0x9  }
0xb1: {  	_ =	task.clear_ibuf [dreg:s7], $0x5FFFF;
	_ =	strace $0x90000046  }
0xb2: {  	s29 =	simm.s32 $0x9;
	_ =	strace $0x80000048  }
0xb3: {  	_ =	swait.ge [sflag:s29], $0x1  }
0xb4: {  	[sflag:s29] =	ssyncadd.s32 $0xFFFFFFFF  }
0xb5: {  	_ =	strace $0x90000048  }
0xb6: {  	_ =	sfence  }
0xb7: {  	s30 =	sld [smem:$0x0];
	_ =	sdelay $0x2  }
0xb8: {  	s31 =	sshll.u32 s1, $0xD;
	s1 =	sshrl.u32 s1, $0x2  }
0xb9: {  	s3 =	sand.u32 $0x4000, s31;
	s1 =	sadd.s32 s1, s30  }
0xba: {  	s0 =	sor.u32 s3, s0;
	s1 =	sshll.u32 s1, $0x11  }
0xbb: {  	s0 =	sor.u32 s1, s0  }
0xbc: {  	s0 =	sadd.s32 $0x8F2B, s0  }
0xbd: {  	[sflag:s0] =	ssyncadd.remote.s32 $0x1  }
0xbe: {  	_ =	sfence.sel $0xFFFF  }
0xbf: {  	[dreg:$0x0] =	wrdreg $0xFFFFFFFF;
	(pc) =	sbr.abs _section_cstart, $3  }
0xc0: {  	[dreg:$0x1] =	wrdreg $0xFFFFFFFF  }
0xc1: {  	_ =	task.clear_ibuf [dreg:s7], $0x2FFFF;
	_ =	strace $0x9FFFFFFF  }
0xc2: {  	(tm) =	ssettm $0x7FFFFFFF  }
0xc3: {  	_ =	shalt  }
tec
execute0_lowered:
.L_overlay_start_1:
0x0: {  	(tag) =	ssettag $0x1  }
0x1: {  	s5 =	rddreg [dreg:$0x0];
	s0 =	srdreg.scid  }
0x2: {  	s2 =	rddreg [dreg:$0x1];
	s1 =	stileid.u32;
	s3 =	simm.s32 $0x0  }
0x3: {  	s9 =	simm.s32 $0x80;
	s10 =	simm.s32 $0xA800;
	s11 =	simm.s32 $0xBC00  }
0x4: {  	s12 =	simm.s32 $0x1;
	s13 =	simm.s32 $0x7400;
	s14 =	simm.s32 $0xD000  }
0x5: {  	s15 =	simm.s32 $0x2;
	s16 =	simm.s32 $0x0;
	s6 =	sand.u32 $0x1, s0  }
0x6: {  	s0 =	rddreg [dreg:$0x2];
	s4 =	sshll.u32 s1, $0xA;
	s7 =	sshll.u32 s6, $0x9  }
0x7: {  	[smem:$0x7FF] =	sst s3;
	s6 =	ssub.s32 $0x2, s6;
	s4 =	sor.u32 s7, s4  }
0x8: {  	_ =	strace $0x80000047;
	s8 =	sshrl.u32 s6, $0x1;
	s7 =	sshll.u32 s4, $0x2  }
0x9: {  	v0 =	vlaneseq.u32;
	s8 =	ssub.s32 s6, s8;
	s7 =	sadd.s32 s7, s5;
	s5 =	sadd.s32 $0x27ACE00, s5  }
0xa: {  	v3 =	vimm.s32 $0x0;
	v1 =	vor.u32 $0x10, v0;
	v2 =	vmul.u32 $0x20, v0;
	s6 =	sadd.s32 $0xA00, s7;
	s7 =	smax.u32 s8, $0x1;
	s8 =	simm.s32 $0x3  }
.LBB2_1:
0xb: {  	[tilespmem:s3], [sflag:$0x3] =	stream.linear.gather [hbm4b:s6+s3], $0x4000, $0x38;
	[tilespmem:$0x1E820] =	vst v63  }
0xc: {  	_ =	swait.ge [sflag:s8], $0x4000  }
0xd: {  	s17 =	simm.s32 $0x1D400;
	s18 =	simm.s32 $0x1DE10;
	[sflag:s8] =	ssyncset.done $0x0  }
0xe: {  	s19 =	simm.s32 $0x0;
	s20 =	simm.s32 $0x0;
	[sflag:s8] =	ssyncadd.s32 $0xFFFFC000  }
.LBB2_2:
0xf: {  	p0 =	sne.s32 s20, $0x7F  }
.Ltmp0:
0x10: {  	v4 =	vmov s20;
	(pc) =	sbr.rel @p0 .LBB2_2-.Ltmp0, $4  }
0x11: {  	s21 =	sand.u32 $0xFFC, s19;
	[tilespmem:s17+$0x0] =	vst v4  }
0x12: {  	[tilespmem:s21+$0x1D410] =	vst v4  }
0x13: {  	s19 =	sadd.s32 $0x14, s19;
	[tilespmem:s18+$0x0] =	vst v0  }
0x14: {  	s20 =	sadd.s32 $0x1, s20;
	s17 =	sadd.s32 $0x14, s17;
	s18 =	sadd.s32 $0x14, s18;
	[tilespmem:s21+$0x1DE20] =	vst v1  }
0x15: {  	s18 =	simm.s32 $0x0  }
0x16: {  	s19 =	simm.s32 $0x4000;
	s20 =	simm.s32 $0x7400;
	s21 =	simm.s32 $0x0  }
.LBB2_4:
0x17: {  	v4 =	vmov s21  }
0x18: {  	v5 =	vmov s18;
	v4 =	vand.u32 $0x1F, v4  }
0x19: {  	v5 =	vshll.u32 v5, $0x5;
	v4 =	vbroadcast v4, $0x0  }
0x1a: {  	v5 =	vor.u32 v2, v5  }
0x1b: {  	v5 =	vor.u32 v4, v5;
	_ =	sdelay $0x4  }
0x1c: {  	v5 =	vld.idx.msk [tilespmem:v5+s3+$0x0], $0xffff  }
0x1d: {  	s17 =	simm.s32 $0x10  }
0x1e: {  	v6 =	vmov s17  }
0x1f: {  	v6 =	vshll.u32 v6, $0x5  }
0x20: {  	v6 =	vor.u32 v2, v6  }
0x21: {  	v7 =	vand.u32 $0x1, v5;
	v8 =	vshra.s32 v5, $0x1;
	v5 =	vor.u32 v4, v6  }
0x22: {  	vm0 =	veq.s32 v7, $0x1  }
0x23: {  	s23 =	simm.s32 $0x20;
	s22 =	smov.u32 s19;
	s17 =	smov.u32 s20;
	[tilespmem:s19+$0x0] =	vst v8;
	v6 =	vsel vm0, $0x14, v3  }
.LBB2_5:
0x24: {  	s22 =	sadd.s32 $0x10, s22  }
0x25: {  	[tilespmem:s17+$0x0] =	vst v6;
	s17 =	sadd.s32 $0x10, s17;
	s24 =	smov.u32 s23;
	s25 =	sadd.s32 $0x10, s23  }
0x26: {  	p0 =	sne.s32 s23, $0x1F0;
	v6 =	vld.idx.msk [tilespmem:v5+s3+$0x0], $0xffff;
	_ =	sdelay $0x1  }
0x27: {  	v5 =	vmov s24  }
0x28: {  	v5 =	vshll.u32 v5, $0x5  }
.Ltmp1:
0x29: {  	v5 =	vor.u32 v2, v5;
	(pc) =	sbr.rel @p0 .LBB2_5-.Ltmp1, $4  }
0x2a: {  	v5 =	vor.u32 v4, v5  }
0x2b: {  	v7 =	vshra.s32 v6, $0x1;
	v6 =	vand.u32 $0x1, v6  }
0x2c: {  	vm0 =	veq.s32 v6, $0x1;
	[tilespmem:s22+$0x0] =	vst v7  }
0x2d: {  	s23 =	smov.u32 s25;
	v6 =	vsel vm0, $0x14, v3  }
0x2e: {  	_ =	sdelay $0x2  }
0x2f: {  	[tilespmem:s17+$0x0] =	vst v6  }
0x30: {  	v4 =	vld.idx.msk [tilespmem:v5+s3+$0x0], $0xffff;
	_ =	sdelay $0x1  }
0x31: {  	s21 =	sadd.s32 $0x1, s21  }
0x32: {  	p0 =	sne.s32 s21, $0x1A  }
.Ltmp2:
0x33: {  	_ = 	snop;
	(pc) =	sbr.rel @p0 .LBB2_4-.Ltmp2, $4  }
0x34: {  	v5 =	vand.u32 $0x1, v4  }
0x35: {  	s22 =	sadd.s32 $0x10, s22;
	v4 =	vshra.s32 v4, $0x1;
	vm0 =	veq.s32 v5, $0x1  }
0x36: {  	s31 =	sadd.s32 $0x10, s17;
	[tilespmem:s22+$0x0] =	vst v4;
	v4 =	vsel vm0, $0x14, v3  }
0x37: {  	s19 =	sadd.s32 $0x200, s19;
	s20 =	sadd.s32 $0x200, s20;
	s17 =	simm.s32 $0x0;
	[tilespmem:s31+$0x0] =	vst v4  }
.LBB2_7:
0x38: {  	s18 =	sshll.u32 s17, $0x1  }
0x39: {  	s19 =	sand.u32 $0xFE, s18  }
0x3a: {  	s19 =	smul.u32 $0x4F, s19;
	_ =	sdelay $0x1  }
0x3b: {  	s19 =	sshrl.u32 s19, $0xB  }
0x3c: {  	s20 =	sand.u32 $0xFF, s17;
	s19 =	smul.u32 $0x1A, s19  }
0x3d: {  	s21 =	sshllo.u32 s17, $0x1;
	s20 =	smul.u32 $0x4F, s20  }
0x3e: {  	s25 =	sand.u32 $0xFF, s21;
	s18 =	ssub.s32 s18, s19  }
0x3f: {  	s26 =	sshrl.u32 s20, $0x3;
	s19 =	smul.u32 $0x4F, s25;
	s22 =	sand.u32 $0xFE, s18  }
0x40: {  	s18 =	sand.u32 $0xF80, s26;
	s23 =	sshll.u32 s22, $0x9;
	s28 =	smul.u32 $0x3D090, s22  }
0x41: {  	s19 =	sshrl.u32 s19, $0xB;
	s24 =	sadd.s32 s18, s23  }
0x42: {  	s19 =	smul.u32 $0x1A, s19;
	s24 =	sadd.s32 $0x4000, s24;
	s20 =	sadd.s32 s5, s28  }
0x43: {  	[tilespmem:s10], [sflag:$0x1] =	stream.indirect.gather [hbm4b:s20+s9], $0x28, s24, s9, $0xb8;
	[tilespmem:$0x1E820] =	vst v63  }
0x44: {  	s19 =	ssub.s32 s21, s19  }
0x45: {  	s19 =	sand.u32 $0xFF, s19  }
0x46: {  	s20 =	sshll.u32 s19, $0x9;
	s29 =	smul.u32 $0x3D090, s19  }
0x47: {  	s30 =	sadd.s32 s18, s20  }
0x48: {  	s24 =	sadd.s32 $0x4000, s30;
	s21 =	sadd.s32 s5, s29  }
0x49: {  	[tilespmem:s11], [sflag:$0x2] =	stream.indirect.gather [hbm4b:s21+s9], $0x28, s24, s9, $0xb8;
	[tilespmem:$0x1E820] =	vst v63  }
0x4a: {  	s31 =	smul.u32 $0x14, s22;
	_ =	swait.ge [sflag:s12], $0x1400  }
0x4b: {  	[sflag:s12] =	ssyncset.done $0x0  }
0x4c: {  	v4 =	vmov s18;
	v5 =	vmov s23;
	v6 =	vmov s31;
	s21 =	simm.s32 $0x0;
	[sflag:s12] =	ssyncadd.s32 $0xFFFFEC00  }
.LBB2_8:
0x4d: {  	s22 =	sshra.s32 s21, $0x2  }
0x4e: {  	v7 =	vld [tilespmem:s22+$0x1D400];
	_ =	sdelay $0x4  }
0x4f: {  	v8 =	vadd.s32 v4, v7  }
0x50: {  	v8 =	vand.u32 $0xFFFFFFF8, v8  }
0x51: {  	v9 =	vand.u32 $0x7, v7;
	v8 =	vadd.s32 v5, v8  }
0x52: {  	v8 =	vor.u32 v9, v8;
	_ =	sdelay $0x3  }
0x53: {  	v62 =	vld [tilespmem:s22+$0x1DE10]  }
0x54: {  	v8 =	vld.idx.msk [tilespmem:v8+s13+$0x0], $0xffff;
	_ =	sdelay $0x4  }
0x55: {  	v10 =	vmul.u32 $0x28, v7;
	v8 =	vadd.s32 v62, v8  }
0x56: {  	v11 =	vand.u32 $0xFFFFFFF8, v8  }
0x57: {  	v8 =	vand.u32 $0x7, v8;
	v10 =	vadd.s32 v10, v11  }
0x58: {  	v8 =	vor.u32 v8, v10;
	_ =	sdelay $0x1  }
0x59: {  	v63 =	vadd.s32 v6, v62;
	v7 =	vmul.u32 $0x208, v7  }
0x5a: {  	v10 =	vand.u32 $0xFFFFFFF8, v63  }
0x5b: {  	v9 =	vand.u32 $0x7, v62;
	v7 =	vadd.s32 v7, v10  }
0x5c: {  	p0 =	sne.s32 s21, $0x27C0;
	v7 =	vor.u32 v9, v7;
	v8 =	vld.idx.msk [tilespmem:v8+s10+$0x0], $0xffff  }
.Ltmp3:
0x5d: {  	_ = 	snop;
	(pc) =	sbr.rel @p0 .LBB2_8-.Ltmp3, $2  }
0x5e: {  	_ =	sdelay $0x2  }
0x5f: {  	s21 =	sadd.s32 $0x40, s21;
	[tilespmem:v7+s14+$0x0] =	vst.idx.msk $0xffff, v8  }
0x60: {  	_ =	swait.ge [sflag:s15], $0x1400;
	s21 =	smul.u32 $0x14, s19  }
0x61: {  	[sflag:s15] =	ssyncset.done $0x0  }
0x62: {  	v5 =	vmov s20;
	s20 =	simm.s32 $0x0;
	[sflag:s15] =	ssyncadd.s32 $0xFFFFEC00;
	v6 =	vmov s21  }
.LBB2_10:
0x63: {  	s21 =	sshra.s32 s20, $0x2  }
0x64: {  	v7 =	vld [tilespmem:s21+$0x1D400];
	_ =	sdelay $0x4  }
0x65: {  	v8 =	vadd.s32 v4, v7  }
0x66: {  	v8 =	vand.u32 $0xFFFFFFF8, v8  }
0x67: {  	v9 =	vand.u32 $0x7, v7;
	v8 =	vadd.s32 v5, v8  }
0x68: {  	v8 =	vor.u32 v9, v8;
	_ =	sdelay $0x3  }
0x69: {  	v62 =	vld [tilespmem:s21+$0x1DE10]  }
0x6a: {  	v8 =	vld.idx.msk [tilespmem:v8+s13+$0x0], $0xffff;
	_ =	sdelay $0x4  }
0x6b: {  	v10 =	vmul.u32 $0x28, v7;
	v8 =	vadd.s32 v62, v8  }
0x6c: {  	v11 =	vand.u32 $0xFFFFFFF8, v8  }
0x6d: {  	v8 =	vand.u32 $0x7, v8;
	v10 =	vadd.s32 v10, v11  }
0x6e: {  	v8 =	vor.u32 v8, v10;
	_ =	sdelay $0x1  }
0x6f: {  	v7 =	vmul.u32 $0x208, v7;
	v9 =	vadd.s32 v6, v62  }
0x70: {  	v63 =	vand.u32 $0xFFFFFFF8, v9  }
0x71: {  	v9 =	vand.u32 $0x7, v9;
	v7 =	vadd.s32 v7, v63  }
0x72: {  	p0 =	sne.s32 s20, $0x27C0;
	v7 =	vor.u32 v9, v7;
	v8 =	vld.idx.msk [tilespmem:v8+s11+$0x0], $0xffff  }
.Ltmp4:
0x73: {  	_ = 	snop;
	(pc) =	sbr.rel @p0 .LBB2_10-.Ltmp4, $2  }
0x74: {  	_ =	sdelay $0x2  }
0x75: {  	s20 =	sadd.s32 $0x40, s20;
	[tilespmem:v7+s14+$0x0] =	vst.idx.msk $0xffff, v8  }
0x76: {  	p0 =	sne.s32 s19, $0x19  }
0x77: {  	s18 =	sadd.s32 @!p0 s4, s18  }
0x78: {  	s18 =	smul.u32 @!p0 $0x41, s18  }
0x79: {  	s17 =	sadd.s32 $0x1, s17;
	s19 =	simm.s32 @!p0 $0x0  }
0x7a: {  	s20 =	simm.s32 @!p0 $0xD000;
	p1 =	sne.s32 s17, $0x34;
	s18 =	sadd.s32 @!p0 s2, s18  }
0x7b: {  	[hbm4b:s18+s19] =	stream.linear.scatter @!p0 [tilespmem:s20], [sflag:$0x3], $0x10400, $0x38;
	[tilespmem:$0x1E820] =	vst v63  }
.Ltmp5:
0x7c: {  	_ = 	snop;
	(pc) =	sbr.rel @p1 .LBB2_7-.Ltmp5, $4  }
0x7d: {  	s18 =	simm.s32 @!p0 $0x3  }
0x7e: {  	_ =	swait.ge @!p0 [sflag:s18], $0x10400  }
0x7f: {  	[sflag:s18] =	ssyncset.done @!p0 $0x0  }
0x80: {  	[sflag:s18] =	ssyncadd.s32 @!p0 $0xFFFEFC00  }
0x81: {  	s16 =	sadd.s32 $0x1, s16  }
0x82: {  	p0 =	sne.s32 s16, s7  }
.Ltmp6:
0x83: {  	_ = 	snop;
	(pc) =	sbr.rel @p0 .LBB2_1-.Ltmp6, $1  }
0x84: {  	_ =	sdelay $0x3  }
0x85: {  	_ =	sfence.sel $0x180000  }
0x86: {  	[bflag:$0x0] =	sbarrier.arrive $0xFFFF  }
0x87: {  	p0 =	sne.s32 s1, $0x0;
	_ =	strace $0x90000047  }
0x88: {  	s0 =	sadd.s32 @!p0 $0x100000, s0;
	[bflag:$0x2] =	sbarrier.arrive $0xFFFF  }
0x89: {  	[sflag:s0] =	ssyncadd.tile.s32 @!p0 $0x1;
	_ =	shalt  }
.Lfunc_end2:
_tile_overlayer_lowered:
.L_overlay_start_2:
0x8a: {  	(tag) =	ssettag $0x2  }
0x8b: {  	s0 =	rddreg [dreg:$0x0];
	s2 =	stileid.u32  }
0x8c: {  	s1 =	rddreg [dreg:$0x1];
	p0 =	sne.s32 s2, $0x0  }
0x8d: {  	s3 =	rddreg [dreg:$0x2];
	[bflag:$0x3] =	sbarrier.arrive $0xFFFF;
	s2 =	simm.s32 @!p0 $0x1C03  }
0x8e: {  	[timem:s3], [sflag:s2] =	dma.local @!p0 [hbm:s0], s1  }
0x8f: {  	s0 =	simm.s32 @!p0 $0x3  }
0x90: {  	_ =	swait.ge @!p0 [sflag:s0], s1  }
0x91: {  	s1 =	ssub.s32 @!p0 $0x0, s1;
	[sflag:s0] =	ssyncset.done @!p0 $0x0  }
0x92: {  	[sflag:s0] =	ssyncadd.s32 @!p0 s1  }
0x93: {  	[bflag:$0x3] =	sbarrier.arrive $0xFFFF  }
0x94: {  	_ =	shalt  }

// kernel: sparse-core-data-format-call.cloned.1.call-start
scs
called_computation_lowered:
.L_overlay_start_0:
0x0: {  	s2 =	sld [smem:$0x3FD9]  }
0x1: {  	s3 =	sld [smem:$0x3FFE];
	_ =	sdelay $0x1  }
0x2: {  	s1 =	srdreg.scid  }
0x3: {  	s0 =	sand.u32 $0x1, s1  }
0x4: {  	s18 =	sshll.u32 s0, $0xA;
	s2 =	sadd.s32 s3, s2  }
0x5: {  	s2 =	sadd.s32 s2, s18  }
0x6: {  	[smem:$0x3FC6] =	sst s2  }
0x7: {  	_ = 	snop  }
0x8: {  	s2 =	sld [smem:$0x3FD0];
	(tm) =	ssettm $0x1  }
0x9: {  	s19 =	sld [smem:$0x3FFB];
	_ =	sdelay $0x3  }
0xa: {  	_ =	strace s19  }
0xb: {  	s3 =	sld [smem:$0x3FFC];
	_ =	sdelay $0x3  }
0xc: {  	_ =	strace s3  }
0xd: {  	s3 =	sld [smem:$0x3FFD];
	_ =	sdelay $0x3  }
0xe: {  	_ =	strace s3  }
0xf: {  	_ =	strace $0x8FFFFFFF  }
0x10: {  	s20 =	sld [smem:$0x3FDB];
	_ =	sdelay $0x1  }
0x11: {  	s4 =	simm.s32 $_scs_section_size  }
0x12: {  	s5 =	simm.s32 $_size__tile_overlayer_lowered;
	s6 =	simm.s32 $_tile_overlayer_lowered  }
0x13: {  	s23 =	simm.s32 $0x1BFF;
	s22 =	sshll.u32 s6, $0x1;
	s3 =	sadd.s32 s4, s20  }
0x14: {  	s7 =	simm.s32 $0x0;
	s21 =	sshll.u32 s5, $0x1;
	s5 =	sadd.s32 s22, s3  }
0x15: {  	[timem:s7], [sflag:s23] =	dma.local [hbm:s5], s21  }
0x16: {  	_ =	swait.ge [sflag:s23], s21  }
0x17: {  	s4 =	ssub.s32 $0x0, s21;
	[sflag:s23] =	ssyncset.done $0x0  }
0x18: {  	[sflag:s23] =	ssyncadd.s32 s4;
	_ =	sdelay $0x1  }
0x19: {  	s24 =	simm.s32 $0x1B8B  }
0x1a: {  	_ =	swait.ge [sflag:s24], $0x1  }
0x1b: {  	[sflag:s24] =	ssyncset.done $0x0  }
0x1c: {  	s26 =	simm.s32 $0x1B8E;
	s25 =	sld [smem:$0x3FFE];
	[sflag:s24] =	ssyncadd.s32 $0xFFFFFFFF  }
0x1d: {  	s27 =	simm.s32 $execute0_lowered;
	[smem:$0x3FD2] =	sst s26  }
0x1e: {  	s5 =	sshll.u32 s27, $0x1;
	_ =	strace $0x80000049;
	[dreg:$0x1] =	wrdreg $0xFFFFFFFF  }
0x1f: {  	s28 =	simm.s32 $_size_execute0_lowered;
	s3 =	sadd.s32 s3, s5;
	[dreg:$0x0] =	wrdreg $0x0  }
0x20: {  	s5 =	sshll.u32 s28, $0x1;
	[dreg:$0x2] =	wrdreg s3  }
0x21: {  	[dreg:$0x3] =	wrdreg s5  }
0x22: {  	[dreg:$0x4] =	wrdreg $0xC0  }
0x23: {  	_ =	task [dreg:s7], $0x5FFFF  }
0x24: {  	[dreg:$0x1] =	wrdreg $0xFFFFFFFF  }
0x25: {  	[dreg:$0x0] =	wrdreg $0x60  }
0x26: {  	[dreg:$0x2] =	wrdreg s25  }
0x27: {  	[dreg:$0x3] =	wrdreg s2  }
0x28: {  	[dreg:$0x4] =	wrdreg $0x9  }
0x29: {  	_ =	task.clear_ibuf [dreg:s7], $0x5FFFF;
	_ =	strace $0x90000049  }
0x2a: {  	s29 =	simm.s32 $0x9;
	_ =	strace $0x8000004B  }
0x2b: {  	_ =	swait.ge [sflag:s29], $0x1  }
0x2c: {  	[sflag:s29] =	ssyncadd.s32 $0xFFFFFFFF  }
0x2d: {  	_ =	strace $0x9000004B  }
0x2e: {  	_ =	sfence  }
0x2f: {  	s30 =	sld [smem:$0x0];
	_ =	sdelay $0x2  }
0x30: {  	s31 =	sshll.u32 s1, $0xD;
	s1 =	sshrl.u32 s1, $0x2  }
0x31: {  	s3 =	sand.u32 $0x4000, s31;
	s1 =	sadd.s32 s1, s30  }
0x32: {  	s0 =	sor.u32 s3, s0;
	s1 =	sshll.u32 s1, $0x11  }
0x33: {  	s0 =	sor.u32 s1, s0  }
0x34: {  	s0 =	sadd.s32 $0x8F2B, s0  }
0x35: {  	[sflag:s0] =	ssyncadd.remote.s32 $0x1  }
0x36: {  	_ =	sfence.sel $0xFFFF  }
0x37: {  	[dreg:$0x0] =	wrdreg $0xFFFFFFFF;
	(pc) =	sbr.abs _section_cstart, $3  }
0x38: {  	[dreg:$0x1] =	wrdreg $0xFFFFFFFF  }
0x39: {  	_ =	task.clear_ibuf [dreg:s7], $0x2FFFF;
	_ =	strace $0x9FFFFFFF  }
0x3a: {  	(tm) =	ssettm $0x7FFFFFFF  }
0x3b: {  	_ =	shalt  }
tec
execute0_lowered:
.L_overlay_start_1:
0x0: {  	(tag) =	ssettag $0x1  }
0x1: {  	s0 =	srdreg.scid  }
0x2: {  	s1 =	sshll.u32 s0, $0x4  }
0x3: {  	s6 =	rddreg [dreg:$0x0];
	s0 =	stileid.u32;
	s1 =	sand.u32 $0x10, s1  }
0x4: {  	s3 =	rddreg [dreg:$0x1];
	s1 =	sor.u32 s0, s1  }
0x5: {  	s5 =	simm.s32 $0x1;
	s31 =	simm.s32 $0x2;
	s2 =	sshll.u32 s1, $0x7  }
0x6: {  	s15 =	simm.s32 $0x0;
	s8 =	simm.s32 $0x20000;
	s4 =	ssub.s32 $0x4000, s2  }
0x7: {  	s14 =	simm.s32 $0x0;
	s9 =	simm.s32 $0x0;
	s30 =	sand.u32 $0xF80, s4  }
0x8: {  	s10 =	simm.s32 $0x0;
	s11 =	simm.s32 $0x0;
	p0 =	sne.s32 s30, $0x0  }
.Ltmp0:
0x9: {  	s7 =	sshrl.u32 s4, $0xC;
	s5 =	simm.s32 @!p0 $0x0;
	(pc) =	sbr.rel .LBB1_1-.Ltmp0, $4  }
0xa: {  	s13 =	simm.s32 $0x0;
	s1 =	rddreg [dreg:$0x2];
	s5 =	sadd.s32 s5, s7  }
0xb: {  	_ =	strace $0x8000004A;
	s4 =	simm.s32 $0x1;
	s5 =	smul.u32 $0x5, s5  }
0xc: {  	s6 =	sadd.s32 $0xA00, s6;
	s12 =	smov.u32 s2;
	[sflag:s4] =	ssyncpa.u1 $0x0  }
0xd: {  	[sflag:s31] =	ssyncpa.u1 $0x0;
	p0 =	por $0x0, $0x0;
	s7 =	sadd.s32 $0x1, s5  }
.LBB1_4:
0xe: {  	s20 =	sshra.s32 s20, $0x2  }
0xf: {  	s28 =	sand.u32 $0x78, s10;
	s21 =	sshll.u32 s9, $0xE;
	s22 =	sshll.u32 s10, $0x3  }
0x10: {  	s24 =	sshll.u32 s9, $0x7;
	p1 =	sgt.s32 s9, $0x188;
	s30 =	sshra.s32 s9, $0x1F  }
0x11: {  	s26 =	sshra.s32 s10, $0x1F;
	s19 =	sadd.s32 s20, s19;
	s21 =	sand.u32 $0xFFFE0000, s21  }
0x12: {  	v5 =	vld [tilespmem:s17+$0xFFFFFFD0];
	[tilespmem:s18+$0x2040 ss:$0x81] =	vst.msk $0xffff, v4;
	s23 =	sand.u32 $0xFFFFFC00, s22;
	s29 =	sand.u32 $0x380, s24;
	s22 =	sand.u32 $0x3C00, s22  }
0x13: {  	v58 =	vld [tilespmem:s17+$0xFFFFFFE0];
	[tilespmem:s18+$0x2850 ss:$0x81] =	vst.msk $0xffff, v3;
	s21 =	sadd.s32 s23, s21;
	s20 =	sor.u32 s28, s22;
	s22 =	smov.u32 s9  }
0x14: {  	v59 =	vld [tilespmem:s17+$0xFFFFFFF0];
	[tilespmem:s18+$0x3060 ss:$0x81] =	vst.msk $0xffff, v2;
	s24 =	sand.u32 s30, s9;
	s21 =	sshrl.u32 s21, $0xE;
	s22 =	simm.s32 @!p1 $0x188  }
0x15: {  	v60 =	vld [tilespmem:s17+$0x0];
	[tilespmem:s18+$0x0 ss:$0x81] =	vst.msk $0xffff, v1;
	p1 =	sgt.s32 s10, $0x3F80;
	s31 =	ssub.s32 s22, s24;
	s22 =	smov.u32 s10  }
0x16: {  	v61 =	vld [tilespmem:s17+$0x10];
	[tilespmem:s19+$0x3870 ss:$0x81] =	vst.msk $0xffff, v0;
	s25 =	smulhi.u32 $0x7E07E1, s21;
	s24 =	sand.u32 s26, s10;
	s22 =	simm.s32 @!p1 $0x3F80  }
0x17: {  	v62 =	vld [tilespmem:s17+$0x20];
	s20 =	sor.u32 s29, s20;
	[tilespmem:s19+$0x810 ss:$0x81] =	vst.msk $0xffff, v5;
	s27 =	sadd.s32 $0xFFFFFE78, s31;
	s22 =	ssub.s32 s22, s24  }
0x18: {  	v63 =	vld [tilespmem:s17+$0xFFFFFFC0];
	[tilespmem:s19+$0x1020 ss:$0x81] =	vst.msk $0xffff, v58;
	s18 =	ssub.s32 $0x208, s31;
	s28 =	smul.u32 $0x208, s25;
	s29 =	sadd.s32 $0xFFFFC080, s22  }
0x19: {  	[tilespmem:s19+$0x1830 ss:$0x81] =	vst.msk $0xffff, v59;
	p1 =	sgt.s32 s27, $0x7F;
	s22 =	ssub.s32 $0x4000, s22;
	p2 =	sgt.s32 s29, $0x7F  }
0x1a: {  	s30 =	sand.u32 $0x7, s10;
	[tilespmem:s19+$0x2040 ss:$0x81] =	vst.msk $0xffff, v60;
	s18 =	simm.s32 @p1 $0x0;
	s22 =	simm.s32 @p2 $0x0  }
0x1b: {  	s20 =	sshrl.u32 s20, $0x3;
	[tilespmem:s19+$0x2850 ss:$0x81] =	vst.msk $0xffff, v61;
	s17 =	ssub.s32 s21, s28;
	s18 =	smul.u32 s22, s18  }
0x1c: {  	[tilespmem:s19+$0x3060 ss:$0x81] =	vst.msk $0xffff, v62;
	s20 =	sadd.s32 s3, s20;
	s21 =	sshll.u32 s30, $0x12;
	s17 =	sshll.u32 s17, $0xB  }
0x1d: {  	[tilespmem:s19+$0x0 ss:$0x81] =	vst.msk $0xffff, v63;
	s31 =	sor.u32 $0x400, s21;
	s17 =	sadd.s32 s17, s20;
	s18 =	sand.u32 $0x3FFFFFFF, s18  }
0x1e: {  	[hbm4b:s17+s31] =	stream.strided.scatter [tilespmem:s16], [sflag:$0x2], s18, s8, s31, $0x20;
	[tilespmem:$0x10100] =	vst v63  }
.LBB1_5:
0x1f: {  	p1 =	slt.u32 s13, $0x2  }
0x20: {  	s17 =	smov.u32 s15;
	p2 =	sgt.s32 @!p1 s15, $0x188;
	s16 =	sshra.s32 @!p1 s15, $0x1F  }
0x21: {  	p3 =	sgt.s32 @!p1 s14, $0x3F80;
	s18 =	sshra.s32 @!p1 s14, $0x1F;
	p2 =	por !p2, p1  }
0x22: {  	s15 =	sand.u32 @!p1 s16, s15;
	p3 =	por !p3, p1;
	s16 =	smov.u32 s14  }
0x23: {  	s14 =	sand.u32 @!p1 s18, s14;
	s17 =	simm.s32 @p2 $0x188;
	s16 =	simm.s32 @p3 $0x3F80  }
0x24: {  	s15 =	ssub.s32 @!p1 s17, s15;
	s14 =	ssub.s32 @!p1 s16, s14  }
0x25: {  	s18 =	smov.u32 s12;
	s16 =	sadd.s32 @!p1 $0xFFFFFE78, s15;
	s17 =	sadd.s32 @!p1 $0xFFFFC080, s14  }
0x26: {  	s15 =	ssub.s32 @!p1 $0x208, s15;
	p2 =	sgt.s32 @!p1 s16, $0x7F;
	p3 =	sgt.s32 @!p1 s17, $0x7F  }
0x27: {  	s14 =	ssub.s32 @!p1 $0x4000, s14;
	p2 =	por !p2, p1;
	p3 =	por !p3, p1  }
0x28: {  	s16 =	sadd.s32 $0x80, s11;
	s15 =	simm.s32 @!p2 $0x0;
	s14 =	simm.s32 @!p3 $0x0  }
0x29: {  	p2 =	sgt.s32 s16, $0x207;
	s14 =	smul.u32 @!p1 s14, s15;
	s15 =	sadd.s32 $0x1000, s12  }
0x2a: {  	s18 =	smov.u32 @p2 s15  }
0x2b: {  	s16 =	simm.s32 @p2 $0x0;
	p2 =	sgt.s32 s18, $0x3FFF  }
0x2c: {  	s18 =	smov.u32 @p2 s2;
	p2 =	sne.s32 s13, s7  }
.Ltmp1:
0x2d: {  	p0 =	por !p0, !p0;
	s17 =	simm.s32 @!p1 $0x2;
	(pc) =	sbr.rel @!p2 .LBB1_6-.Ltmp1, $4  }
0x2e: {  	s15 =	smov.u32 s9;
	s9 =	smov.u32 s11;
	s14 =	sand.u32 @!p1 $0x3FFFFFFF, s14  }
0x2f: {  	s11 =	smov.u32 s16;
	_ =	swait.ge @!p1 [sflag:s17], s14;
	s19 =	ssub.s32 @!p1 $0x0, s14  }
0x30: {  	s14 =	smov.u32 s10;
	s13 =	sadd.s32 $0x1, s13;
	[sflag:s17] =	ssyncset.done @!p1 $0x0  }
0x31: {  	s10 =	smov.u32 s12;
	s12 =	smov.u32 s18;
	[sflag:s17] =	ssyncadd.s32 @!p1 s19  }
.LBB1_1:
0x32: {  	p1 =	sge.u32 s13, s5  }
0x33: {  	s16 =	sshrl.u32 @!p1 s12, $0x3  }
0x34: {  	s17 =	sshll.u32 @!p1 s11, $0x3;
	s16 =	smul.u32 @!p1 $0x1400, s16  }
0x35: {  	s18 =	sshll.u32 @!p1 s12, $0x7;
	s17 =	sand.u32 @!p1 $0xFFFFFC00, s17  }
0x36: {  	s16 =	sadd.s32 @!p1 s16, s17;
	s17 =	sand.u32 @!p1 $0x380, s18  }
0x37: {  	s18 =	sand.u32 @!p1 $0x7F, s11;
	s16 =	sor.u32 @!p1 s17, s16  }
0x38: {  	s17 =	sor.u32 @!p1 s18, s16  }
0x39: {  	s18 =	smulhi.u32 @!p1 $0xCCCCCCCD, s17;
	_ =	sdelay $0x1  }
0x3a: {  	s16 =	smulhi.u32 @!p1 $0xCCCCCCCD, s16;
	s18 =	sshrl.u32 @!p1 s18, $0x9  }
0x3b: {  	s18 =	smul.u32 @!p1 $0x280, s18  }
0x3c: {  	s31 =	sadd.s32 $0xFFFFFFFF, s13;
	s19 =	sxor.u32 @!p1 $0xFFFFFFFF, s13;
	s16 =	sshrl.u32 @!p1 s16, $0x9  }
0x3d: {  	s19 =	sshll.u32 @!p1 s19, $0xE;
	s16 =	sand.u32 @!p1 $0x3FFF, s16;
	s17 =	ssub.s32 @!p1 s17, s18  }
0x3e: {  	s16 =	smul.u32 @!p1 $0x50, s16;
	s18 =	sshrl.u32 @!p1 s17, $0x3;
	s17 =	sand.u32 @!p1 $0x7, s17  }
0x3f: {  	s19 =	sand.u32 @!p1 $0x4000, s19;
	s18 =	sadd.s32 @!p1 s6, s18;
	s17 =	sshll.u32 @!p1 s17, $0x12  }
0x40: {  	s16 =	sadd.s32 @!p1 s16, s18;
	s17 =	sor.u32 @!p1 $0x400, s17;
	s18 =	simm.s32 @!p1 $0x1400  }
0x41: {  	[tilespmem:s19], [sflag:$0x1] =	stream.strided.gather @!p1 [hbm4b:s16+s17], $0x4000, s18, s17, $0x38;
	[tilespmem:$0x10100] =	vst v63  }
0x42: {  	p1 =	sge.u32 s31, s5  }
.Ltmp2:
0x43: {  	_ = 	snop;
	(pc) =	sbr.rel @p1 .LBB1_5-.Ltmp2, $1  }
0x44: {  	_ =	sdelay $0x3  }
0x45: {  	s16 =	simm.s32 $0x1  }
0x46: {  	_ =	swait.ge [sflag:s4], $0x4000;
	s16 =	simm.s32 @!p0 $0x0  }
0x47: {  	[sflag:s4] =	ssyncset.done $0x0;
	s17 =	sshll.u32 s16, $0xE  }
0x48: {  	[sflag:s4] =	ssyncadd.s32 $0xFFFFC000;
	s17 =	sor.u32 $0x40, s17  }
0x49: {  	s16 =	smul.u32 $0x10200, s16;
	v0 =	vld [tilespmem:s17+$0x30]  }
0x4a: {  	v1 =	vld [tilespmem:s17+$0xFFFFFFD0]  }
0x4b: {  	s16 =	sshrl.u32 s16, $0x2;
	v5 =	vld [tilespmem:s17+$0xFFFFFFE0]  }
0x4c: {  	v6 =	vld [tilespmem:s17+$0xFFFFFFF0];
	s19 =	sor.u32 $0x8000, s16  }
0x4d: {  	s31 =	sand.u32 $0x1, s13;
	v4 =	vld [tilespmem:s17+$0x0];
	s18 =	sadd.s32 $0x0, s19  }
0x4e: {  	v3 =	vld [tilespmem:s17+$0x10];
	s16 =	smul.u32 $0x10200, s31;
	[tilespmem:s18+$0x3870 ss:$0x81] =	vst.msk $0xffff, v0  }
0x4f: {  	v2 =	vld [tilespmem:s17+$0x20];
	[tilespmem:s18+$0x810 ss:$0x81] =	vst.msk $0xffff, v1  }
0x50: {  	s16 =	sshrl.u32 s16, $0x2;
	v1 =	vld [tilespmem:s17+$0xFFFFFFC0];
	[tilespmem:s18+$0x1020 ss:$0x81] =	vst.msk $0xffff, v5;
	s17 =	sadd.s32 $0x80, s17  }
0x51: {  	s20 =	simm.s32 $0x4;
	s21 =	simm.s32 $0x8;
	s16 =	sor.u32 $0x8000, s16;
	[tilespmem:s18+$0x1830 ss:$0x81] =	vst.msk $0xffff, v6;
	v0 =	vld [tilespmem:s17+$0x30]  }
.LBB1_3:
0x52: {  	p1 =	sne.s32 s21, $0x1FC;
	v5 =	vld [tilespmem:s17+$0xFFFFFFD0];
	[tilespmem:s18+$0x2040 ss:$0x81] =	vst.msk $0xffff, v4  }
0x53: {  	v6 =	vld [tilespmem:s17+$0xFFFFFFE0];
	[tilespmem:s18+$0x2850 ss:$0x81] =	vst.msk $0xffff, v3  }
0x54: {  	s22 =	sshra.s32 s20, $0x2;
	s20 =	smov.u32 s21;
	v7 =	vld [tilespmem:s17+$0xFFFFFFF0];
	[tilespmem:s18+$0x3060 ss:$0x81] =	vst.msk $0xffff, v2  }
.Ltmp3:
0x55: {  	v4 =	vld [tilespmem:s17+$0x0];
	[tilespmem:s18+$0x0 ss:$0x81] =	vst.msk $0xffff, v1;
	s18 =	sadd.s32 s22, s19;
	(pc) =	sbr.rel @p1 .LBB1_3-.Ltmp3, $4  }
0x56: {  	v3 =	vld [tilespmem:s17+$0x10];
	[tilespmem:s18+$0x3870 ss:$0x81] =	vst.msk $0xffff, v0  }
0x57: {  	[tilespmem:s18+$0x810 ss:$0x81] =	vst.msk $0xffff, v5;
	v2 =	vld [tilespmem:s17+$0x20]  }
0x58: {  	v1 =	vld [tilespmem:s17+$0xFFFFFFC0];
	[tilespmem:s18+$0x1020 ss:$0x81] =	vst.msk $0xffff, v6;
	s17 =	sadd.s32 $0x80, s17  }
0x59: {  	s21 =	sadd.s32 $0x4, s21;
	v0 =	vld [tilespmem:s17+$0x30];
	[tilespmem:s18+$0x1830 ss:$0x81] =	vst.msk $0xffff, v7  }
.Ltmp4:
0x5a: {  	_ = 	snop;
	(pc) =	sbr.rel .LBB1_4-.Ltmp4, $1  }
0x5b: {  	_ =	sdelay $0x3  }
.LBB1_6:
0x5c: {  	_ =	sfence.sel $0x180000  }
0x5d: {  	s2 =	simm.s32 $0x1;
	[bflag:$0x0] =	sbarrier.arrive $0xFFFF  }
0x5e: {  	s31 =	simm.s32 $0x2;
	[sflag:s2] =	ssyncpa.u1 $0x1  }
0x5f: {  	[sflag:s31] =	ssyncpa.u1 $0x1  }
0x60: {  	p0 =	sne.s32 s0, $0x0;
	_ =	strace $0x9000004A  }
0x61: {  	s0 =	sadd.s32 @!p0 $0x100000, s1;
	[bflag:$0x2] =	sbarrier.arrive $0xFFFF  }
0x62: {  	[sflag:s0] =	ssyncadd.tile.s32 @!p0 $0x1;
	_ =	shalt  }
.Lfunc_end1:
_tile_overlayer_lowered:
.L_overlay_start_2:
0x63: {  	(tag) =	ssettag $0x2  }
0x64: {  	s0 =	rddreg [dreg:$0x0];
	s2 =	stileid.u32  }
0x65: {  	s1 =	rddreg [dreg:$0x1];
	p0 =	sne.s32 s2, $0x0  }
0x66: {  	s3 =	rddreg [dreg:$0x2];
	[bflag:$0x3] =	sbarrier.arrive $0xFFFF;
	s2 =	simm.s32 @!p0 $0x1C01  }
0x67: {  	[timem:s3], [sflag:s2] =	dma.local @!p0 [hbm:s0], s1  }
0x68: {  	s0 =	simm.s32 @!p0 $0x1  }
0x69: {  	_ =	swait.ge @!p0 [sflag:s0], s1  }
0x6a: {  	s1 =	ssub.s32 @!p0 $0x0, s1;
	[sflag:s0] =	ssyncset.done @!p0 $0x0  }
0x6b: {  	[sflag:s0] =	ssyncadd.s32 @!p0 s1  }
0x6c: {  	[bflag:$0x3] =	sbarrier.arrive $0xFFFF  }
0x6d: {  	_ =	shalt  }

</sc_bundles>
